<compile_context>
chip_gen: v7x
topology: tpu7x:2x2x1
jax: 0.10.2.dev20260603
libtpu: 0.0.44.dev20260713+nightly
codegen_flags: <defaults>
</compile_context>

<pallas_src>
import functools

import jax
import jax.numpy as jnp
from jax import lax
from jax.experimental import pallas as pl
from jax.experimental.pallas import tpu as pltpu
from jax.experimental.pallas import tpu_sc as plsc

_BLK = 512
_NC = 2
_NS = 16
_LANES = 16


def _vq_block(emb_ref, cb_ref, idx_ref, alpha_ref):
    d = emb_ref.shape[1]
    e = emb_ref[...]
    c = cb_ref[...]
    k = c.shape[0]

    norms = jnp.sum(c * c, axis=1)
    dots = jax.lax.dot_general(
        e, c, (((1,), (1,)), ((), ())),
        preferred_element_type=jnp.float32,
        precision=jax.lax.Precision.HIGHEST)
    alpha = dots / norms[None, :]
    score = dots * alpha

    m = jnp.max(score, axis=1, keepdims=True)
    kiota = jax.lax.broadcasted_iota(jnp.int32, score.shape, 1)
    idx = jnp.min(jnp.where(score == m, kiota, k), axis=1)

    sel = kiota == idx[:, None]
    alpha_sel = jnp.max(jnp.where(sel, alpha, -jnp.inf), axis=1)

    idx_ref[0, 0, :] = idx
    alpha_ref[...] = jnp.broadcast_to(alpha_sel[:, None], (alpha_sel.shape[0], d))


def _tc_search(embedding, codebook):
    b, d = embedding.shape
    k = codebook.shape[0]
    nblk = b // _BLK
    idx, alpha = pl.pallas_call(
        _vq_block,
        grid=(nblk,),
        in_specs=[
            pl.BlockSpec((_BLK, d), lambda i: (i, 0)),
            pl.BlockSpec((k, d), lambda i: (0, 0)),
        ],
        out_specs=[
            pl.BlockSpec((1, 1, _BLK), lambda i: (i, 0, 0)),
            pl.BlockSpec((_BLK, d), lambda i: (i, 0)),
        ],
        out_shape=[
            jax.ShapeDtypeStruct((nblk, 1, _BLK), jnp.int32),
            jax.ShapeDtypeStruct((b, d), jnp.float32),
        ],
    )(embedding, codebook)
    return idx.reshape(b), alpha


def _make_sc_gather(b, d):
    nw = _NC * _NS
    rpw = b // nw
    mesh = plsc.VectorSubcoreMesh(core_axis_name="c", subcore_axis_name="s")

    @functools.partial(
        pl.kernel, mesh=mesh,
        compiler_params=pltpu.CompilerParams(use_tc_tiling_on_sc=False,
                                             skip_device_barrier=True),
        out_type=jax.ShapeDtypeStruct((b, d), jnp.float32),
        scratch_types=[
            pltpu.VMEM((rpw,), jnp.int32),
            pltpu.VMEM((rpw, d), jnp.float32),
            pltpu.VMEM((rpw, d), jnp.float32),
            pltpu.SemaphoreType.DMA,
        ],
    )
    def sc_gather(cb_hbm, idx_hbm, alpha_hbm, out_hbm, idx_v, alpha_v,
                  rows_v, sem):
        wid = lax.axis_index("s") * _NC + lax.axis_index("c")
        base = wid * rpw
        pltpu.sync_copy(idx_hbm.at[pl.ds(base, rpw)], idx_v)
        pltpu.sync_copy(alpha_hbm.at[pl.ds(base, rpw)], alpha_v)
        pltpu.async_copy(cb_hbm.at[idx_v], rows_v, sem).wait()

        def scale_row(r, _):
            for h in range(d // _LANES):
                sl = pl.ds(h * _LANES, _LANES)
                rows_v[r, sl] = rows_v[r, sl] * alpha_v[r, sl]
            return 0

        lax.fori_loop(0, rpw, scale_row, 0)
        pltpu.sync_copy(rows_v, out_hbm.at[pl.ds(base, rpw)])

    return sc_gather


@jax.jit
def kernel(embedding, codebook):
    if embedding.ndim == 1:
        embedding = embedding[None, :]
    b, d = embedding.shape
    idx, alpha = _tc_search(embedding, codebook)
    z = _make_sc_gather(b, d)(codebook, idx, alpha)
    return (z, idx)

# --- scband reference (transcript-rebuilt; emitter-appended) ---
"""Pipeline reference for scband-vector-quantizer-46943992545315 (READ-ONLY COPY).

The authoritative reference and input builder live on the scoring server;
editing this copy changes nothing except your own understanding.
"""

import jax, jax.numpy as jnp
import numpy as np

B = 4096
D = 32
K = 512

def setup_inputs(seed: int = 0) -> dict:
    key = jax.random.key(seed)
    k1, k2 = jax.random.split(key)
    embedding = jax.random.normal(k1, (B, D), dtype=jnp.float32)
    codebook = jax.random.normal(k2, (K, D), dtype=jnp.float32)
    return {"embedding": embedding, "codebook": codebook}

def reference(embedding, codebook):
    if embedding.ndim == 1:
        embedding = embedding[None, :]
    # squared norm of each code vector: (K, 1)
    code_norms = jnp.sum(codebook ** 2, axis=1, keepdims=True)
    # dot products: (B, K)
    dots = jnp.matmul(embedding, codebook.T)
    # projection coefficients: (B, K)
    alpha = dots / code_norms.T
    # projections of each embedding onto each code line: (B, K, D)
    projections = alpha[..., None] * codebook[None, :, :]
    # squared projection error: (B, K)
    diff = embedding[:, None, :] - projections
    errors = jnp.sum(diff ** 2, axis=-1)
    # best code per batch element
    indices = jnp.argmin(errors, axis=1)
    z_out = projections[jnp.arange(embedding.shape[0]), indices]
    return (z_out, indices)

if __name__ == "__main__":
    import jax
    _d = setup_inputs()
    print(jax.jit(kernel)(*tuple(_d.values())))

</pallas_src>

<mosaic_0001>
#map = affine_map<(d0, d1) -> (0, 0)>
#map1 = affine_map<(d0, d1) -> (0)>
module attributes {stable_mosaic.version = 14 : i64} {
  func.func @sc_gather(%arg0: i32, %arg1: i32, %arg2: memref<512x32xf32, #tpu.memory_space<hbm>>, %arg3: memref<4096xi32, #tpu.memory_space<hbm>>, %arg4: memref<4096x32xf32, #tpu.memory_space<hbm>>, %arg5: memref<4096x32xf32, #tpu.memory_space<hbm>>, %arg6: memref<128xi32, #tpu.memory_space<vmem>>, %arg7: memref<128x32xf32, #tpu.memory_space<vmem>>, %arg8: memref<128x32xf32, #tpu.memory_space<vmem>>, %arg9: memref<!tpu.dma_semaphore, #tpu.memory_space<semaphore_mem>>) attributes {dimension_semantics = [#tpu.dimension_semantics<core_parallel>, #tpu.dimension_semantics<subcore_parallel>], iteration_bounds = array<i64: 2, 16>, scalar_prefetch = 0 : i64, scratch_operands = 4 : i64, tpu.core_type = #tpu.core_type<sc_vector_subcore>, window_params = [{transform_indices = #map}, {transform_indices = #map1}, {transform_indices = #map}, {transform_indices = #map}]} {
    %mul3A = arith.constant 2 : i32
    %mul3A_0 = arith.muli %arg1, %mul3A : i32
    %add3A = arith.addi %mul3A_0, %arg0 : i32
    %mul3A_1 = arith.constant 128 : i32
    %mul3A_2 = arith.muli %add3A, %mul3A_1 : i32
    "tpu.region"() ({
      %run_scoped3A = tpu.sem_alloc : memref<!tpu.dma_semaphore, #tpu.memory_space<semaphore_mem>>
      %dma_start3A_13 = tpu.memref_slice %arg3[%mul3A_2] : memref<4096xi32, #tpu.memory_space<hbm>> -> memref<128xi32, #tpu.memory_space<hbm>>
      %dma_start3A_14 = tpu.memref_slice %arg3[%mul3A_2] : memref<4096xi32, #tpu.memory_space<hbm>> -> memref<128xi32, #tpu.memory_space<hbm>>
      tpu.enqueue_dma source(%dma_start3A_14 : memref<128xi32, #tpu.memory_space<hbm>>) target(%arg6 : memref<128xi32, #tpu.memory_space<vmem>>) target_semaphore(%run_scoped3A : memref<!tpu.dma_semaphore, #tpu.memory_space<semaphore_mem>>)
      %dma_wait3A_15 = tpu.memref_slice %arg3[%mul3A_2] : memref<4096xi32, #tpu.memory_space<hbm>> -> memref<128xi32, #tpu.memory_space<hbm>>
      %dma_wait3A_16 = tpu.memref_slice %arg3[%mul3A_2] : memref<4096xi32, #tpu.memory_space<hbm>> -> memref<128xi32, #tpu.memory_space<hbm>>
      tpu.wait_dma2 semaphore(%run_scoped3A : memref<!tpu.dma_semaphore, #tpu.memory_space<semaphore_mem>>) src(%dma_wait3A_16 : memref<128xi32, #tpu.memory_space<hbm>>) dst(%arg6 : memref<128xi32, #tpu.memory_space<vmem>>)
      tpu.yield
    }) : () -> ()
    "tpu.region"() ({
      %run_scoped3A = tpu.sem_alloc : memref<!tpu.dma_semaphore, #tpu.memory_space<semaphore_mem>>
      %dma_start3A_13 = arith.constant 0 : i32
      %dma_start3A_14 = tpu.memref_slice %arg4[%mul3A_2, %dma_start3A_13] : memref<4096x32xf32, #tpu.memory_space<hbm>> -> memref<128x32xf32, #tpu.memory_space<hbm>>
      %dma_start3A_15 = arith.constant 0 : i32
      %dma_start3A_16 = tpu.memref_slice %arg4[%mul3A_2, %dma_start3A_15] : memref<4096x32xf32, #tpu.memory_space<hbm>> -> memref<128x32xf32, #tpu.memory_space<hbm>>
      tpu.enqueue_dma source(%dma_start3A_16 : memref<128x32xf32, #tpu.memory_space<hbm>>) target(%arg7 : memref<128x32xf32, #tpu.memory_space<vmem>>) target_semaphore(%run_scoped3A : memref<!tpu.dma_semaphore, #tpu.memory_space<semaphore_mem>>)
      %dma_wait3A_17 = arith.constant 0 : i32
      %dma_wait3A_18 = tpu.memref_slice %arg4[%mul3A_2, %dma_wait3A_17] : memref<4096x32xf32, #tpu.memory_space<hbm>> -> memref<128x32xf32, #tpu.memory_space<hbm>>
      %dma_wait3A_19 = arith.constant 0 : i32
      %dma_wait3A_20 = tpu.memref_slice %arg4[%mul3A_2, %dma_wait3A_19] : memref<4096x32xf32, #tpu.memory_space<hbm>> -> memref<128x32xf32, #tpu.memory_space<hbm>>
      tpu.wait_dma2 semaphore(%run_scoped3A : memref<!tpu.dma_semaphore, #tpu.memory_space<semaphore_mem>>) src(%dma_wait3A_20 : memref<128x32xf32, #tpu.memory_space<hbm>>) dst(%arg7 : memref<128x32xf32, #tpu.memory_space<vmem>>)
      tpu.yield
    }) : () -> ()
    %dma_start3A = arith.constant 0 : i32
    %dma_start3A_3 = arith.constant 0 : i32
    %dma_start3A_4 = tpu.memref_slice %arg2[%dma_start3A, %dma_start3A_3] : memref<512x32xf32, #tpu.memory_space<hbm>> -> memref<512x32xf32, #tpu.memory_space<hbm>>
    tpu.enqueue_indirect_dma source(%dma_start3A_4 : memref<512x32xf32, #tpu.memory_space<hbm>>) target(%arg8 : memref<128x32xf32, #tpu.memory_space<vmem>>) offsets(%arg6 : memref<128xi32, #tpu.memory_space<vmem>>) semaphore(%arg9 : memref<!tpu.dma_semaphore, #tpu.memory_space<semaphore_mem>>)
    %dma_wait3A = arith.constant 0 : i32
    %dma_wait3A_5 = arith.constant 0 : i32
    %dma_wait3A_6 = tpu.memref_slice %arg2[%dma_wait3A, %dma_wait3A_5] : memref<512x32xf32, #tpu.memory_space<hbm>> -> memref<512x32xf32, #tpu.memory_space<hbm>>
    tpu.wait_indirect_dma semaphore(%arg9 : memref<!tpu.dma_semaphore, #tpu.memory_space<semaphore_mem>>) src(%dma_wait3A_6 : memref<512x32xf32, #tpu.memory_space<hbm>>) dst(%arg8 : memref<128x32xf32, #tpu.memory_space<vmem>>)
    %scan3A = arith.constant 0 : i32
    %scan3A_7 = arith.constant 0 : i32
    %scan3A_8 = arith.constant 128 : i32
    %scan3A_9 = arith.addi %scan3A_7, %scan3A_8 : i32
    %scan3A_10 = arith.constant 1 : i32
    %scan3A_11 = scf.for %scan3A_13 = %scan3A_7 to %scan3A_9 step %scan3A_10 iter_args(%scan3A_14 = %scan3A) -> (i32)  : i32 {
      %get3A = arith.index_cast %scan3A_13 : i32 to index
      %get3A_15 = arith.constant 0 : index
      %get3A_16 = tpu.vector_load %arg8[%get3A, %get3A_15] {strides = array<i32>} : memref<128x32xf32, #tpu.memory_space<vmem>>, vector<1x16xf32>,
      %get3A_17 = vector.shape_cast %get3A_16 : vector<1x16xf32> to vector<16xf32>
      %get3A_18 = arith.index_cast %scan3A_13 : i32 to index
      %get3A_19 = arith.constant 0 : index
      %get3A_20 = tpu.vector_load %arg7[%get3A_18, %get3A_19] {strides = array<i32>} : memref<128x32xf32, #tpu.memory_space<vmem>>, vector<1x16xf32>,
      %get3A_21 = vector.shape_cast %get3A_20 : vector<1x16xf32> to vector<16xf32>
      %mul3A_22 = arith.mulf %get3A_17, %get3A_21 : vector<16xf32>
      %swap3A = arith.index_cast %scan3A_13 : i32 to index
      %swap3A_23 = arith.constant 0 : index
      %swap3A_24 = tpu.vector_load %arg8[%swap3A, %swap3A_23] {strides = array<i32>} : memref<128x32xf32, #tpu.memory_space<vmem>>, vector<1x16xf32>,
      %swap3A_25 = vector.shape_cast %swap3A_24 : vector<1x16xf32> to vector<16xf32>
      %swap3A_26 = vector.shape_cast %mul3A_22 : vector<16xf32> to vector<1x16xf32>
      tpu.vector_store %arg8[%swap3A, %swap3A_23], %swap3A_26 {strides = array<i32>} : memref<128x32xf32, #tpu.memory_space<vmem>>, vector<1x16xf32>,
      %get3A_27 = arith.index_cast %scan3A_13 : i32 to index
      %get3A_28 = arith.constant 16 : index
      %get3A_29 = tpu.vector_load %arg8[%get3A_27, %get3A_28] {strides = array<i32>} : memref<128x32xf32, #tpu.memory_space<vmem>>, vector<1x16xf32>,
      %get3A_30 = vector.shape_cast %get3A_29 : vector<1x16xf32> to vector<16xf32>
      %get3A_31 = arith.index_cast %scan3A_13 : i32 to index
      %get3A_32 = arith.constant 16 : index
      %get3A_33 = tpu.vector_load %arg7[%get3A_31, %get3A_32] {strides = array<i32>} : memref<128x32xf32, #tpu.memory_space<vmem>>, vector<1x16xf32>,
      %get3A_34 = vector.shape_cast %get3A_33 : vector<1x16xf32> to vector<16xf32>
      %mul3A_35 = arith.mulf %get3A_30, %get3A_34 : vector<16xf32>
      %swap3A_36 = arith.index_cast %scan3A_13 : i32 to index
      %swap3A_37 = arith.constant 16 : index
      %swap3A_38 = tpu.vector_load %arg8[%swap3A_36, %swap3A_37] {strides = array<i32>} : memref<128x32xf32, #tpu.memory_space<vmem>>, vector<1x16xf32>,
      %swap3A_39 = vector.shape_cast %swap3A_38 : vector<1x16xf32> to vector<16xf32>
      %swap3A_40 = vector.shape_cast %mul3A_35 : vector<16xf32> to vector<1x16xf32>
      tpu.vector_store %arg8[%swap3A_36, %swap3A_37], %swap3A_40 {strides = array<i32>} : memref<128x32xf32, #tpu.memory_space<vmem>>, vector<1x16xf32>,
      %scan3A_41 = arith.constant 0 : i32
      scf.yield %scan3A_41 : i32
    }
    %scan3A_12 = arith.constant 128 : i32
    "tpu.region"() ({
      %run_scoped3A = tpu.sem_alloc : memref<!tpu.dma_semaphore, #tpu.memory_space<semaphore_mem>>
      %dma_start3A_13 = arith.constant 0 : i32
      %dma_start3A_14 = tpu.memref_slice %arg5[%mul3A_2, %dma_start3A_13] : memref<4096x32xf32, #tpu.memory_space<hbm>> -> memref<128x32xf32, #tpu.memory_space<hbm>>
      %dma_start3A_15 = arith.constant 0 : i32
      %dma_start3A_16 = tpu.memref_slice %arg5[%mul3A_2, %dma_start3A_15] : memref<4096x32xf32, #tpu.memory_space<hbm>> -> memref<128x32xf32, #tpu.memory_space<hbm>>
      tpu.enqueue_dma source(%arg8 : memref<128x32xf32, #tpu.memory_space<vmem>>) target(%dma_start3A_16 : memref<128x32xf32, #tpu.memory_space<hbm>>) target_semaphore(%run_scoped3A : memref<!tpu.dma_semaphore, #tpu.memory_space<semaphore_mem>>)
      %dma_wait3A_17 = arith.constant 0 : i32
      %dma_wait3A_18 = tpu.memref_slice %arg5[%mul3A_2, %dma_wait3A_17] : memref<4096x32xf32, #tpu.memory_space<hbm>> -> memref<128x32xf32, #tpu.memory_space<hbm>>
      %dma_wait3A_19 = arith.constant 0 : i32
      %dma_wait3A_20 = tpu.memref_slice %arg5[%mul3A_2, %dma_wait3A_19] : memref<4096x32xf32, #tpu.memory_space<hbm>> -> memref<128x32xf32, #tpu.memory_space<hbm>>
      tpu.wait_dma2 semaphore(%run_scoped3A : memref<!tpu.dma_semaphore, #tpu.memory_space<semaphore_mem>>) src(%arg8 : memref<128x32xf32, #tpu.memory_space<vmem>>) dst(%dma_wait3A_20 : memref<128x32xf32, #tpu.memory_space<hbm>>)
      tpu.yield
    }) : () -> ()
    return
  }
}

module attributes {stable_mosaic.version = 14 : i64} {
  func.func @_vq_block(%arg0: i32, %arg1: memref<512x32xf32, #tpu.memory_space<vmem>>, %arg2: memref<512x32xf32, #tpu.memory_space<vmem>>, %arg3: memref<1x1x512xi32, #tpu.memory_space<vmem>>, %arg4: memref<512x32xf32, #tpu.memory_space<vmem>>) attributes {dimension_semantics = [#tpu.dimension_semantics<arbitrary>], iteration_bounds = array<i64: 8>, scalar_prefetch = 0 : i64, scratch_operands = 0 : i64, tpu.core_type = #tpu.core_type<tc>, window_params = [{transform_indices = @transform_0, window_bounds = array<i64: 512, 32>}, {pipeline_mode = #tpu.pipeline_mode<synchronous>, transform_indices = @transform_1, window_bounds = array<i64: 512, 32>}, {transform_indices = @transform_2, window_bounds = array<i64: 1, 1, 512>}, {transform_indices = @transform_3, window_bounds = array<i64: 512, 32>}]} {
    %get3A = arith.constant 0 : index
    %get3A_0 = arith.constant 0 : index
    %get3A_1 = vector.load %arg1[%get3A, %get3A_0] : memref<512x32xf32, #tpu.memory_space<vmem>>, vector<512x32xf32>
    %get3A_2 = arith.constant 0 : index
    %get3A_3 = arith.constant 0 : index
    %get3A_4 = vector.load %arg2[%get3A_2, %get3A_3] : memref<512x32xf32, #tpu.memory_space<vmem>>, vector<512x32xf32>
    %mul3A = arith.mulf %get3A_4, %get3A_4 : vector<512x32xf32>
    %reduce_sum3A = arith.constant dense<0.000000e+00> : vector<512xf32>
    %reduce_sum3A_5 = vector.multi_reduction <add>, %mul3A, %reduce_sum3A [1] : vector<512x32xf32> to vector<512xf32>
    %dot_general3A = arith.constant dense<0.000000e+00> : vector<512x512xf32>
    %dot_general3A_6 = tpu.matmul %get3A_1, %get3A_4, %dot_general3A {dimension_numbers = #tpu.dot_dimension_numbers<[1], [1], [0], [0], [0, 0, 1, 0], [], []>, precision = #tpu.contract_precision<fp32>, transpose_lhs_hint = false} : vector<512x32xf32>, vector<512x32xf32>, vector<512x512xf32> -> vector<512x512xf32>
    %broadcast_in_dim3A = vector.shape_cast %reduce_sum3A_5 : vector<512xf32> to vector<1x512xf32>
    %div3A = vector.broadcast %broadcast_in_dim3A : vector<1x512xf32> to vector<512x512xf32>
    %div3A_7 = arith.divf %dot_general3A_6, %div3A : vector<512x512xf32>
    %mul3A_8 = arith.mulf %dot_general3A_6, %div3A_7 : vector<512x512xf32>
    %reduce_max3A = arith.constant dense<0xFF800000> : vector<512xf32>
    %reduce_max3A_9 = vector.multi_reduction <maximumf>, %mul3A_8, %reduce_max3A [1] : vector<512x512xf32> to vector<512xf32>
    %broadcast_in_dim3A_10 = vector.shape_cast %reduce_max3A_9 : vector<512xf32> to vector<512x1xf32>
    %iota3A = tpu.iota {dimensions = array<i32: 1>} : vector<512x512xi32>
    %eq3A = vector.broadcast %broadcast_in_dim3A_10 : vector<512x1xf32> to vector<512x512xf32>
    %eq3A_11 = arith.cmpf oeq, %mul3A_8, %eq3A : vector<512x512xf32>
    %jit3A = arith.constant 512 : i32
    %broadcast_in_dim3A_12 = vector.broadcast %jit3A : i32 to vector<512x512xi32>
    %select_n3A = arith.select %eq3A_11, %iota3A, %broadcast_in_dim3A_12 : vector<512x512xi1>, vector<512x512xi32>
    %reduce_min3A = arith.constant dense<2147483647> : vector<512xi32>
    %reduce_min3A_13 = vector.multi_reduction <minsi>, %select_n3A, %reduce_min3A [1] : vector<512x512xi32> to vector<512xi32>
    %broadcast_in_dim3A_14 = vector.shape_cast %reduce_min3A_13 : vector<512xi32> to vector<512x1xi32>
    %eq3A_15 = vector.broadcast %broadcast_in_dim3A_14 : vector<512x1xi32> to vector<512x512xi32>
    %eq3A_16 = arith.cmpi eq, %iota3A, %eq3A_15 : vector<512x512xi32>
    %jit3A_17 = arith.constant 0xFF800000 : f32
    %broadcast_in_dim3A_18 = vector.broadcast %jit3A_17 : f32 to vector<512x512xf32>
    %select_n3A_19 = arith.select %eq3A_16, %div3A_7, %broadcast_in_dim3A_18 : vector<512x512xi1>, vector<512x512xf32>
    %reduce_max3A_20 = arith.constant dense<0xFF800000> : vector<512xf32>
    %reduce_max3A_21 = vector.multi_reduction <maximumf>, %select_n3A_19, %reduce_max3A_20 [1] : vector<512x512xf32> to vector<512xf32>
    %swap3A = arith.constant 0 : index
    %swap3A_22 = arith.constant 0 : index
    %swap3A_23 = arith.constant 0 : index
    %swap3A_24 = vector.load %arg3[%swap3A, %swap3A_22, %swap3A_23] : memref<1x1x512xi32, #tpu.memory_space<vmem>>, vector<1x1x512xi32>
    %swap3A_25 = vector.shape_cast %swap3A_24 : vector<1x1x512xi32> to vector<512xi32>
    %swap3A_26 = vector.shape_cast %reduce_min3A_13 : vector<512xi32> to vector<1x1x512xi32>
    tpu.vector_store %arg3[%swap3A, %swap3A_22, %swap3A_23], %swap3A_26 {strides = array<i32>} : memref<1x1x512xi32, #tpu.memory_space<vmem>>, vector<1x1x512xi32>,
    %broadcast_in_dim3A_27 = vector.shape_cast %reduce_max3A_21 : vector<512xf32> to vector<512x1xf32>
    %broadcast_in_dim3A_28 = vector.shape_cast %broadcast_in_dim3A_27 : vector<512x1xf32> to vector<512x1xf32>
    %broadcast_in_dim3A_29 = vector.broadcast %broadcast_in_dim3A_28 : vector<512x1xf32> to vector<512x32xf32>
    %swap3A_30 = arith.constant 0 : index
    %swap3A_31 = arith.constant 0 : index
    %swap3A_32 = vector.load %arg4[%swap3A_30, %swap3A_31] : memref<512x32xf32, #tpu.memory_space<vmem>>, vector<512x32xf32>
    tpu.vector_store %arg4[%swap3A_30, %swap3A_31], %broadcast_in_dim3A_29 {strides = array<i32>} : memref<512x32xf32, #tpu.memory_space<vmem>>, vector<512x32xf32>,
    return
  }
  func.func @transform_0(%arg0: i32) -> (i32, i32) {
    %c0_i32 = arith.constant 0 : i32
    %c0_i32_0 = arith.constant 0 : i32
    return %arg0, %c0_i32 : i32, i32
  }
  func.func @transform_1(%arg0: i32) -> (i32, i32) {
    %c0_i32 = arith.constant 0 : i32
    %c0_i32_0 = arith.constant 0 : i32
    %c0_i32_1 = arith.constant 0 : i32
    return %c0_i32, %c0_i32_0 : i32, i32
  }
  func.func @transform_2(%arg0: i32) -> (i32, i32, i32) {
    %c0_i32 = arith.constant 0 : i32
    %c0_i32_0 = arith.constant 0 : i32
    %c0_i32_1 = arith.constant 0 : i32
    return %arg0, %c0_i32, %c0_i32_0 : i32, i32, i32
  }
  func.func @transform_3(%arg0: i32) -> (i32, i32) {
    %c0_i32 = arith.constant 0 : i32
    %c0_i32_0 = arith.constant 0 : i32
    return %arg0, %c0_i32 : i32, i32
  }
}

</mosaic_0001>

<sc_bundles>
// kernel: kernel.4.cloned.1.call-start
scs
__scs_entry_jumppad:
0x0: {  	(pc) =	sbr.rel $0x88, $3  }
0x1: {  	(tag) =	ssettag $0x0;
	lr =	simm.s32 $0x1  }
0x2: {  	[smem:$0x3F9F] =	sst lr;
	_ =	strace $0xD0000000  }
0x3: {  	_ = 	snop  }
0x4: {  	_ = 	snop  }
0x5: {  	_ = 	snop  }
0x6: {  	_ = 	snop  }
0x7: {  	_ = 	snop  }
__scs_overlays_trampoline_lowered:
0x8: {  	[smem:$0x3FAE] =	sst s0  }
0x9: {  	[smem:$0x3FAF] =	sst s1  }
0xa: {  	[smem:$0x3FB0] =	sst s2  }
0xb: {  	[smem:$0x3FB1] =	sst s3  }
0xc: {  	[smem:$0x3FB2] =	sst s4  }
0xd: {  	[smem:$0x3FB3] =	sst s5  }
0xe: {  	[smem:$0x3FB4] =	sst s6  }
0xf: {  	[smem:$0x3FB5] =	sst s7  }
0x10: {  	[smem:$0x3FB6] =	sst s8  }
0x11: {  	[smem:$0x3FB7] =	sst s9;
	s0 =	simm.s32 @!p0 $0x0  }
0x12: {  	s1 =	sld [smem:$0x3F9D];
	s0 =	simm.s32 @p0 $0x1  }
0x13: {  	[smem:$0x3FB8] =	sst s0;
	s0 =	simm.s32 @!p1 $0x0  }
0x14: {  	s2 =	sld [smem:$0x3F9C];
	s0 =	simm.s32 @p1 $0x1  }
0x15: {  	[smem:$0x3FB9] =	sst s0;
	s0 =	simm.s32 @!p2 $0x0  }
0x16: {  	s3 =	sld [smem:$0x3FDB];
	s0 =	simm.s32 @p2 $0x1  }
0x17: {  	s4 =	simm.s32 $0x1BF5;
	[smem:$0x3FBB] =	sst s0  }
0x18: {  	s0 =	sld [smem:$0x3F9E];
	_ =	swait.ge [sflag:s4], $0x0  }
0x19: {  	s7 =	sld [smem:$0x3F9F]  }
0x1a: {  	s8 =	sadd.s32 $0xFFFFE003, lr  }
0x1b: {  	s9 =	sadd.s32 $0xFFFFFEF7, lr;
	s5 =	simm.s32 $0xFFFFFFFF;
	p2 =	slt.u32 s8, $0xFFFFF086  }
0x1c: {  	p1 =	slt.u32 s9, $0xF7A;
	s5 =	simm.s32 @!p2 $0x0  }
0x1d: {  	s5 =	simm.s32 @p1 $0x1;
	p0 =	seq.s32 s7, s2  }
0x1e: {  	s7 =	smul.u32 @!p0 $0xF7A, s2;
	p2 =	seq.s32 @!p0 s5, $0x0  }
0x1f: {  	s9 =	smul.u32 $0xF7A, s1;
	s8 =	simm.s32 @!p0 $0x1BF5;
	p2 =	por !p2, p0  }
0x20: {  	[sflag:s8] =	ssyncset.s32 @!p0 $0xFFFFF086;
	s6 =	sadd.s32 @!p0 s3, s7;
	s7 =	simm.s32 @!p0 $0x108  }
0x21: {  	s3 =	sadd.s32 s3, s9;
	s6 =	sadd.s32 @!p0 $0x88, s6;
	s7 =	simm.s32 @p2 $0x1082  }
0x22: {  	[simem:s7], [sflag:s8] =	dma.local @!p0 [hbm:s6], $0xF7A  }
0x23: {  	s9 =	sor.u32 $0xD0000000, s2;
	s6 =	simm.s32 $0x108;
	_ =	swait.ge @!p0 [sflag:s8], $0x0  }
0x24: {  	s3 =	sadd.s32 $0x88, s3;
	s6 =	simm.s32 @!p1 $0x1082;
	[sflag:s4] =	ssyncset.s32 $0xFFFFF086  }
0x25: {  	[simem:s6], [sflag:s4] =	dma.local [hbm:s3], $0xF7A  }
0x26: {  	[smem:$0x3F9F] =	sst s1;
	(tag) =	ssettag s2;
	_ =	strace s9  }
0x27: {  	s1 =	sld [smem:$0x3FAF]  }
0x28: {  	s2 =	sld [smem:$0x3FB0]  }
0x29: {  	s4 =	sld [smem:$0x3FB2]  }
0x2a: {  	p0 =	seq.s32 s5, $0x0;
	s5 =	sld [smem:$0x3FB3]  }
0x2b: {  	s6 =	sld [smem:$0x3FB4]  }
0x2c: {  	s7 =	sld [smem:$0x3FB5]  }
0x2d: {  	s3 =	simm.s32 $0x108;
	s8 =	sld [smem:$0x3FB6]  }
0x2e: {  	s3 =	simm.s32 @!p0 $0x1082;
	s9 =	sld [smem:$0x3FB7]  }
0x2f: {  	lr =	sadd.s32 s0, s3;
	s0 =	sld [smem:$0x3FAE]  }
0x30: {  	s3 =	sld [smem:$0x3FB1]  }
0x31: {  	[smem:$0x3FBA] =	sst s10  }
0x32: {  	s10 =	sld [smem:$0x3FB8];
	_ =	sdelay $0x3  }
0x33: {  	p0 =	seq.s32 s10, $0x1;
	s10 =	sld [smem:$0x3FBA];
	_ =	sdelay $0x3  }
0x34: {  	[smem:$0x3FBA] =	sst s10  }
0x35: {  	s10 =	sld [smem:$0x3FB9];
	_ =	sdelay $0x3  }
0x36: {  	p1 =	seq.s32 s10, $0x1;
	s10 =	sld [smem:$0x3FBA];
	_ =	sdelay $0x3  }
0x37: {  	[smem:$0x3FBA] =	sst s10  }
0x38: {  	s10 =	sld [smem:$0x3FBB]  }
0x39: {  	_ = 	snop;
	(pc) =	sbr.ind lr, $3  }
0x3a: {  	_ = 	snop  }
0x3b: {  	_ = 	snop  }
0x3c: {  	p2 =	seq.s32 s10, $0x1;
	s10 =	sld [smem:$0x3FBA]  }
0x3d: {  	_ =	shalt  }
0x3e: {  	_ =	shalt  }
0x3f: {  	_ =	shalt  }
0x40: {  	_ =	shalt  }
0x41: {  	_ =	shalt  }
0x42: {  	_ =	shalt  }
0x43: {  	_ =	shalt  }
0x44: {  	_ =	shalt  }
0x45: {  	_ =	shalt  }
0x46: {  	_ =	shalt  }
0x47: {  	_ =	shalt  }
0x48: {  	_ =	shalt  }
0x49: {  	_ =	shalt  }
0x4a: {  	_ =	shalt  }
0x4b: {  	_ =	shalt  }
0x4c: {  	_ =	shalt  }
0x4d: {  	_ =	shalt  }
0x4e: {  	_ =	shalt  }
0x4f: {  	_ =	shalt  }
0x50: {  	_ =	shalt  }
0x51: {  	_ =	shalt  }
0x52: {  	_ =	shalt  }
0x53: {  	_ =	shalt  }
0x54: {  	_ =	shalt  }
0x55: {  	_ =	shalt  }
0x56: {  	_ =	shalt  }
0x57: {  	_ =	shalt  }
0x58: {  	_ =	shalt  }
0x59: {  	_ =	shalt  }
0x5a: {  	_ =	shalt  }
0x5b: {  	_ =	shalt  }
0x5c: {  	_ =	shalt  }
0x5d: {  	_ =	shalt  }
0x5e: {  	_ =	shalt  }
0x5f: {  	_ =	shalt  }
0x60: {  	_ =	shalt  }
0x61: {  	_ =	shalt  }
0x62: {  	_ =	shalt  }
0x63: {  	_ =	shalt  }
0x64: {  	_ =	shalt  }
0x65: {  	_ =	shalt  }
0x66: {  	_ =	shalt  }
0x67: {  	_ =	shalt  }
0x68: {  	_ =	shalt  }
0x69: {  	_ =	shalt  }
0x6a: {  	_ =	shalt  }
0x6b: {  	_ =	shalt  }
0x6c: {  	_ =	shalt  }
0x6d: {  	_ =	shalt  }
0x6e: {  	_ =	shalt  }
0x6f: {  	_ =	shalt  }
0x70: {  	_ =	shalt  }
0x71: {  	_ =	shalt  }
0x72: {  	_ =	shalt  }
0x73: {  	_ =	shalt  }
0x74: {  	_ =	shalt  }
0x75: {  	_ =	shalt  }
0x76: {  	_ =	shalt  }
0x77: {  	_ =	shalt  }
0x78: {  	_ =	shalt  }
0x79: {  	_ =	shalt  }
0x7a: {  	_ =	shalt  }
0x7b: {  	_ =	shalt  }
0x7c: {  	_ =	shalt  }
0x7d: {  	_ =	shalt  }
0x7e: {  	_ =	shalt  }
0x7f: {  	_ =	shalt  }
0x80: {  	_ =	shalt  }
0x81: {  	_ =	shalt  }
0x82: {  	_ =	shalt  }
0x83: {  	_ =	shalt  }
0x84: {  	_ =	shalt  }
0x85: {  	_ =	shalt  }
0x86: {  	_ =	shalt  }
0x87: {  	_ =	shalt  }
.Lfunc_end0:
.L_simem_size_0:
called_computation_lowered:
.L_overlay_start_0:
0x88: {  	s2 =	sld [smem:$0x3FD9]  }
0x89: {  	s3 =	sld [smem:$0x3FFE];
	_ =	sdelay $0x1  }
0x8a: {  	s1 =	srdreg.scid  }
0x8b: {  	s0 =	sand.u32 $0x1, s1  }
0x8c: {  	s14 =	sshll.u32 s0, $0xA;
	s2 =	sadd.s32 s3, s2  }
0x8d: {  	s2 =	sadd.s32 s2, s14  }
0x8e: {  	[smem:$0x3FC6] =	sst s2  }
0x8f: {  	_ = 	snop  }
0x90: {  	s2 =	sld [smem:$0x3FD0];
	_ =	sdelay $0x2  }
0x91: {  	s15 =	simm.s32 $0xA;
	s4 =	simm.s32 $0x10  }
0x92: {  	[smem:s4], [sflag:s15] =	dma.local [hbm:s2], $0x1  }
0x93: {  	_ =	swait.eq [sflag:s15], $0x1  }
0x94: {  	[sflag:s15] =	ssyncset.done $0x0  }
0x95: {  	s16 =	sld [smem:$0x10];
	[sflag:s15] =	ssyncadd.s32 $0xFFFFFFFF  }
0x96: {  	s17 =	sld [smem:$0x11];
	(tm) =	ssettm $0x1  }
0x97: {  	s18 =	sld [smem:$0x3FFB];
	_ =	sdelay $0x3  }
0x98: {  	_ =	strace s18  }
0x99: {  	s4 =	sld [smem:$0x3FFC];
	_ =	sdelay $0x3  }
0x9a: {  	_ =	strace s4  }
0x9b: {  	s4 =	sld [smem:$0x3FFD];
	_ =	sdelay $0x3  }
0x9c: {  	_ =	strace s4  }
0x9d: {  	_ =	strace $0x8FFFFFFF  }
0x9e: {  	s19 =	sld [smem:$0x3FDB];
	_ =	sdelay $0x1  }
0x9f: {  	s5 =	simm.s32 $_scs_section_size  }
0xa0: {  	s6 =	simm.s32 $_size__tile_overlayer_lowered;
	s7 =	simm.s32 $_tile_overlayer_lowered  }
0xa1: {  	s22 =	simm.s32 $0x1BFF;
	s21 =	sshll.u32 s7, $0x1;
	s4 =	sadd.s32 s5, s19  }
0xa2: {  	s8 =	simm.s32 $0x0;
	s20 =	sshll.u32 s6, $0x1;
	s6 =	sadd.s32 s21, s4  }
0xa3: {  	[timem:s8], [sflag:s22] =	dma.local [hbm:s6], s20  }
0xa4: {  	_ =	swait.ge [sflag:s22], s20  }
0xa5: {  	s5 =	ssub.s32 $0x0, s20;
	[sflag:s22] =	ssyncset.done $0x0  }
0xa6: {  	[sflag:s22] =	ssyncadd.s32 s5;
	_ =	sdelay $0x1  }
0xa7: {  	s23 =	simm.s32 $0x1B8B  }
0xa8: {  	_ =	swait.ge [sflag:s23], $0x1  }
0xa9: {  	[sflag:s23] =	ssyncset.done $0x0  }
0xaa: {  	s25 =	simm.s32 $0x1B8E;
	s24 =	sld [smem:$0x3FFE];
	[sflag:s23] =	ssyncadd.s32 $0xFFFFFFFF  }
0xab: {  	s26 =	simm.s32 $execute0_lowered;
	[smem:$0x3FD2] =	sst s25  }
0xac: {  	s6 =	sshll.u32 s26, $0x1;
	_ =	strace $0x80000046;
	[dreg:$0x1] =	wrdreg $0xFFFFFFFF  }
0xad: {  	s28 =	simm.s32 $_size_execute0_lowered;
	s4 =	sadd.s32 s4, s6;
	[dreg:$0x0] =	wrdreg $0x0  }
0xae: {  	s6 =	sshll.u32 s28, $0x1;
	[dreg:$0x2] =	wrdreg s4  }
0xaf: {  	[dreg:$0x3] =	wrdreg s6  }
0xb0: {  	[dreg:$0x4] =	wrdreg $0xC0  }
0xb1: {  	_ =	task [dreg:s8], $0x5FFFF  }
0xb2: {  	[dreg:$0x1] =	wrdreg $0xFFFFFFFF  }
0xb3: {  	[dreg:$0x0] =	wrdreg $0x60  }
0xb4: {  	[dreg:$0x2] =	wrdreg s24  }
0xb5: {  	[dreg:$0x3] =	wrdreg s17  }
0xb6: {  	[dreg:$0x4] =	wrdreg s16  }
0xb7: {  	[dreg:$0x5] =	wrdreg $0x9  }
0xb8: {  	_ =	task.clear_ibuf [dreg:s8], $0x6FFFF;
	_ =	strace $0x90000046  }
0xb9: {  	s29 =	simm.s32 $0x9;
	_ =	strace $0x80000048  }
0xba: {  	_ =	swait.ge [sflag:s29], $0x1  }
0xbb: {  	[sflag:s29] =	ssyncadd.s32 $0xFFFFFFFF  }
0xbc: {  	_ =	strace $0x90000048  }
0xbd: {  	_ =	sfence  }
0xbe: {  	s30 =	sld [smem:$0x0];
	_ =	sdelay $0x2  }
0xbf: {  	s31 =	sshll.u32 s1, $0xD;
	s1 =	sshrl.u32 s1, $0x2  }
0xc0: {  	s3 =	sand.u32 $0x4000, s31;
	s1 =	sadd.s32 s1, s30  }
0xc1: {  	s0 =	sor.u32 s3, s0;
	s1 =	sshll.u32 s1, $0x11  }
0xc2: {  	s0 =	sor.u32 s1, s0  }
0xc3: {  	s0 =	sadd.s32 $0x8F2B, s0  }
0xc4: {  	[sflag:s0] =	ssyncadd.remote.s32 $0x1  }
0xc5: {  	_ =	sfence.sel $0xFFFF  }
0xc6: {  	[dreg:$0x0] =	wrdreg $0xFFFFFFFF;
	(pc) =	sbr.abs _section_cstart, $3  }
0xc7: {  	[dreg:$0x1] =	wrdreg $0xFFFFFFFF  }
0xc8: {  	_ =	task.clear_ibuf [dreg:s8], $0x2FFFF;
	_ =	strace $0x9FFFFFFF  }
0xc9: {  	(tm) =	ssettm $0x7FFFFFFF  }
tec
execute0_lowered:
.L_overlay_start_1:
0x0: {  	(tag) =	ssettag $0x1  }
0x1: {  	s4 =	rddreg [dreg:$0x0]  }
0x2: {  	s5 =	rddreg [dreg:$0x1]  }
0x3: {  	s6 =	rddreg [dreg:$0x2]  }
0x4: {  	s0 =	rddreg [dreg:$0x3];
	s3 =	srdreg.scid  }
0x5: {  	s2 =	simm.s32 $0x0;
	s1 =	stileid.u32;
	s12 =	simm.s32 $0x0  }
0x6: {  	s3 =	sand.u32 $0x1, s3;
	[smem:$0x7FF] =	sst s2;
	s7 =	sshll.u32 s1, $0x8  }
0x7: {  	s8 =	sshll.u32 s3, $0x7;
	_ =	strace $0x80000047;
	s30 =	ssub.s32 $0x2, s3  }
0x8: {  	s3 =	sadd.s32 $0x600, s4;
	s7 =	sor.u32 s8, s7;
	s10 =	sshrl.u32 s30, $0x1  }
0x9: {  	s9 =	sshll.u32 s7, $0x2;
	s8 =	ssub.s32 s30, s10;
	s31 =	sshrl.u32 s7, $0x3  }
0xa: {  	s10 =	simm.s32 $0x1080;
	s11 =	sadd.s32 s9, s4;
	s4 =	sadd.s32 s5, s31  }
0xb: {  	s5 =	sadd.s32 s6, s9;
	s7 =	smax.u32 s8, $0x1;
	s8 =	simm.s32 $0x2  }
0xc: {  	s9 =	simm.s32 $0x80;
	s6 =	sadd.s32 $0xE00, s11;
	s11 =	simm.s32 $0x1  }
.LBB2_1:
0xd: {  	[tilespmem:s2], [sflag:$0x2] =	stream.linear.gather [hbm4b:s4+s2], $0x80, $0x38;
	[tilespmem:$0x2080] =	vst v63  }
0xe: {  	_ =	swait.ge [sflag:s8], $0x80  }
0xf: {  	[sflag:s8] =	ssyncset.done $0x0  }
0x10: {  	[sflag:s8] =	ssyncadd.s32 $0xFFFFFF80  }
0x11: {  	[tilespmem:s9], [sflag:$0x2] =	stream.linear.gather [hbm4b:s5+s2], $0x1000, $0x38;
	[tilespmem:$0x2080] =	vst v63  }
0x12: {  	_ =	swait.ge [sflag:s8], $0x1000  }
0x13: {  	[sflag:s8] =	ssyncset.done $0x0  }
0x14: {  	[sflag:s8] =	ssyncadd.s32 $0xFFFFF000  }
0x15: {  	[tilespmem:s10], [sflag:$0x1] =	stream.indirect.gather [hbm4b:s3+s9], $0x20, s2, s9, $0xb8;
	[tilespmem:$0x2080] =	vst v63  }
0x16: {  	_ =	swait.ge [sflag:s11], $0x1000  }
0x17: {  	[sflag:s11] =	ssyncset.done $0x0  }
0x18: {  	s13 =	simm.s32 $0x0;
	[sflag:s11] =	ssyncadd.s32 $0xFFFFF000  }
0x19: {  	v0 =	vld [tilespmem:s13+$0x80]  }
0x1a: {  	v1 =	vld [tilespmem:s13+$0x90]  }
0x1b: {  	s14 =	simm.s32 $0x80;
	v2 =	vld [tilespmem:s13+$0x1080]  }
.LBB2_2:
0x1c: {  	p0 =	sne.s32 s14, $0x3F80;
	v3 =	vld [tilespmem:s13+$0x1090];
	_ =	sdelay $0x2  }
.Ltmp0:
0x1d: {  	(pc) =	sbr.rel @p0 .LBB2_2-.Ltmp0, $4  }
0x1e: {  	s15 =	sshra.s32 s14, $0x2;
	v2 =	vmul.f32 v0, v2  }
0x1f: {  	v0 =	vld [tilespmem:s15+$0x80];
	v3 =	vmul.f32 v1, v3  }
0x20: {  	v1 =	vld [tilespmem:s15+$0x90];
	[tilespmem:s13+$0x1080] =	vst v2  }
0x21: {  	s14 =	sadd.s32 $0x80, s14;
	v2 =	vld [tilespmem:s15+$0x1080];
	[tilespmem:s13+$0x1090] =	vst v3;
	s13 =	smov.u32 s15  }
0x22: {  	v3 =	vld [tilespmem:s13+$0x1090];
	_ =	sdelay $0x3  }
0x23: {  	v0 =	vmul.f32 v0, v2  }
0x24: {  	s12 =	sadd.s32 $0x1, s12;
	v1 =	vmul.f32 v1, v3  }
0x25: {  	p0 =	sne.s32 s12, s7;
	[tilespmem:s13+$0x1080] =	vst v0  }
.Ltmp1:
0x26: {  	[tilespmem:s13+$0x1090] =	vst v1;
	(pc) =	sbr.rel @p0 .LBB2_1-.Ltmp1, $4  }
0x27: {  	[hbm4b:s6+s2] =	stream.linear.scatter [tilespmem:s10], [sflag:$0x2], $0x1000, $0x38;
	[tilespmem:$0x2080] =	vst v63  }
0x28: {  	_ =	swait.ge [sflag:s8], $0x1000  }
0x29: {  	[sflag:s8] =	ssyncset.done $0x0  }
0x2a: {  	[sflag:s8] =	ssyncadd.s32 $0xFFFFF000  }
0x2b: {  	_ =	sfence.sel $0x180000  }
0x2c: {  	[bflag:$0x0] =	sbarrier.arrive $0xFFFF  }
0x2d: {  	p0 =	sne.s32 s1, $0x0;
	_ =	strace $0x90000047  }
0x2e: {  	s0 =	sadd.s32 @!p0 $0x100000, s0;
	[bflag:$0x2] =	sbarrier.arrive $0xFFFF  }
0x2f: {  	[sflag:s0] =	ssyncadd.tile.s32 @!p0 $0x1;
	_ =	shalt  }
.Lfunc_end2:
_tile_overlayer_lowered:
.L_overlay_start_2:
0x30: {  	(tag) =	ssettag $0x2  }
0x31: {  	s0 =	rddreg [dreg:$0x0];
	s2 =	stileid.u32  }
0x32: {  	s1 =	rddreg [dreg:$0x1];
	p0 =	sne.s32 s2, $0x0  }
0x33: {  	s3 =	rddreg [dreg:$0x2];
	[bflag:$0x3] =	sbarrier.arrive $0xFFFF;
	s2 =	simm.s32 @!p0 $0x1C02  }
0x34: {  	[timem:s3], [sflag:s2] =	dma.local @!p0 [hbm:s0], s1  }
0x35: {  	s0 =	simm.s32 @!p0 $0x2  }
0x36: {  	_ =	swait.ge @!p0 [sflag:s0], s1  }
0x37: {  	s1 =	ssub.s32 @!p0 $0x0, s1;
	[sflag:s0] =	ssyncset.done @!p0 $0x0  }
0x38: {  	[sflag:s0] =	ssyncadd.s32 @!p0 s1  }
0x39: {  	[bflag:$0x3] =	sbarrier.arrive $0xFFFF  }
0x3a: {  	_ =	shalt  }

</sc_bundles>
